<compile_context>
chip_gen: v7x
topology: tpu7x:2x2x1
jax: 0.10.2.dev20260603
libtpu: 0.0.44.dev20260713+nightly
codegen_flags: <defaults>
</compile_context>

<pallas_src>
import jax
import jax.numpy as jnp
from jax import lax
from jax.experimental import pallas as pl
from jax.experimental.pallas import tpu as pltpu
from jax.experimental.pallas import tpu_sc as plsc

_HW = 196
_K = 512
_CD = 32
_L = 12
_B = 2
_NW_USED = _B * _L
_CHUNK = _CD * _HW
_UNROLL = 8
_N16 = _CHUNK // 16


def _tc_body(z_ref, codes_ref, idx_ref, g_ref):
    c = codes_ref[0]
    h = z_ref[0, 0]
    scores = jax.lax.dot_general(
        c, h, (((1,), (0,)), ((), ())),
        preferred_element_type=jnp.float32,
        precision=jax.lax.Precision.HIGHEST)
    cn = jnp.sum(c * c, axis=1, keepdims=True)
    d2 = cn - 2.0 * scores
    m = jnp.min(d2, axis=0, keepdims=True)
    kiota = jax.lax.broadcasted_iota(jnp.int32, d2.shape, 0)
    idx = jnp.min(jnp.where(d2 == m, kiota, _K), axis=0)
    idx_ref[0, 0, 0, :] = idx
    i_iota = jax.lax.broadcasted_iota(jnp.int32, (_CD, _HW), 0)
    g_ref[0, 0] = idx[None, :] * _CD + i_iota


def _sc_body(codes_hbm, g_hbm, out_hbm, cbuf, gbuf, obuf):
    wid = lax.axis_index("c") * 16 + lax.axis_index("s")

    @pl.when(wid < _NW_USED)
    def _():
        l = wid % _L
        pltpu.sync_copy(codes_hbm.at[pl.ds(l * _K * _CD, _K * _CD)], cbuf)
        pltpu.sync_copy(g_hbm.at[pl.ds(wid * _CHUNK, _CHUNK)], gbuf)

        def body(j, _):
            base = j * (16 * _UNROLL)
            for u in range(_UNROLL):
                off = base + u * 16
                gv = gbuf[pl.ds(off, 16)]
                obuf[pl.ds(off, 16)] = plsc.load_gather(cbuf, [gv])
            return 0

        lax.fori_loop(0, _N16 // _UNROLL, body, 0)
        pltpu.sync_copy(obuf, out_hbm.at[pl.ds(wid * _CHUNK, _CHUNK)])


def kernel(z, codes):
    latent_dim, num_codes, channel_dim = codes.shape
    batch, channels, height, width = z.shape
    hw = height * width
    zr = z.reshape(batch, latent_dim, channel_dim, hw)

    idx4, g = pl.pallas_call(
        _tc_body,
        grid=(batch, latent_dim),
        in_specs=[
            pl.BlockSpec((1, 1, channel_dim, hw), lambda b, l: (b, l, 0, 0)),
            pl.BlockSpec((1, num_codes, channel_dim), lambda b, l: (l, 0, 0)),
        ],
        out_specs=[
            pl.BlockSpec((1, 1, 1, hw), lambda b, l: (b, l, 0, 0)),
            pl.BlockSpec((1, 1, channel_dim, hw), lambda b, l: (b, l, 0, 0)),
        ],
        out_shape=[
            jax.ShapeDtypeStruct((batch, latent_dim, 1, hw), jnp.int32),
            jax.ShapeDtypeStruct((batch, latent_dim, channel_dim, hw), jnp.int32),
        ],
    )(zr, codes)

    mesh = plsc.VectorSubcoreMesh(core_axis_name="c", subcore_axis_name="s")
    hard_flat = pl.kernel(
        _sc_body,
        mesh=mesh,
        compiler_params=pltpu.CompilerParams(needs_layout_passes=False),
        out_type=jax.ShapeDtypeStruct((batch * channels * hw,), jnp.float32),
        scratch_types=[
            pltpu.VMEM((num_codes * channel_dim,), jnp.float32),
            pltpu.VMEM((_CHUNK,), jnp.int32),
            pltpu.VMEM((_CHUNK,), jnp.float32),
        ],
    )(codes.reshape(-1), g.reshape(-1))

    quantized = hard_flat.reshape(batch, channels, height, width)
    idxes = (idx4.reshape(batch, latent_dim, hw)
                 .transpose(0, 2, 1)
                 .reshape(batch, height, width, latent_dim))
    return (quantized, idxes)

# --- scband reference (transcript-rebuilt; emitter-appended) ---
"""Pipeline reference for scband-soft-to-hard-nd-encoder-27608049779090 (READ-ONLY COPY).

The authoritative reference and input builder live on the scoring server;
editing this copy changes nothing except your own understanding.
"""

import jax, jax.numpy as jnp
import numpy as np


def setup_inputs(seed: int = 0) -> dict:
    key = jax.random.key(seed)
    k1, k2 = jax.random.split(key)
    z = jax.random.normal(k1, (2, 384, 14, 14), dtype=jnp.float32)
    codes = jax.random.normal(k2, (12, 512, 32), dtype=jnp.float32)
    return {"z": z, "codes": codes}


def reference(z, codes):
    latent_dim, num_codes, channel_dim = codes.shape
    h = jnp.transpose(z, (0, 2, 3, 1))
    batch, height, width, channels = h.shape
    h = h.reshape(batch, height, width, channels // channel_dim, channel_dim)
    W = codes[None, None, None]  # [1,1,1,L,K,cd]
    diff = h[:, :, :, :, None, :] - W  # [B,H,W,L,K,cd]
    distances = jnp.sqrt(jnp.sum(diff * diff, axis=5))  # [B,H,W,L,K]
    symbol_probs = jax.nn.softmax(-distances, axis=4)  # softmin over codes
    soft_symbols = jnp.sum(symbol_probs[..., None] * W, axis=4)  # [B,H,W,L,cd]
    idxes = jnp.argmin(distances, axis=4)  # [B,H,W,L]
    offsets = jnp.arange(0, latent_dim * num_codes, num_codes, dtype=idxes.dtype)
    flat_indexes = (idxes + offsets).reshape(-1)
    flat_symbols = codes.reshape(-1, channel_dim)
    hard_symbols_flat = jnp.take(flat_symbols, flat_indexes, axis=0)
    hard_symbols = hard_symbols_flat.reshape(batch, height, width, channels)
    soft_symbols = soft_symbols.reshape(batch, height, width, channels)
    quantized = jax.lax.stop_gradient(hard_symbols - soft_symbols) + soft_symbols
    quantized = jnp.transpose(quantized, (0, 3, 1, 2))
    return (quantized, idxes)

if __name__ == "__main__":
    import jax
    _d = setup_inputs()
    print(jax.jit(kernel)(*tuple(_d.values())))

</pallas_src>

<mosaic_0001>
#map = affine_map<(d0, d1) -> (0)>
module attributes {stable_mosaic.version = 14 : i64} {
  func.func @_sc_body(%arg0: i32, %arg1: i32, %arg2: memref<196608xf32, #tpu.memory_space<hbm>>, %arg3: memref<150528xi32, #tpu.memory_space<hbm>>, %arg4: memref<150528xf32, #tpu.memory_space<hbm>>, %arg5: memref<16384xf32, #tpu.memory_space<vmem>>, %arg6: memref<6272xi32, #tpu.memory_space<vmem>>, %arg7: memref<6272xf32, #tpu.memory_space<vmem>>) attributes {dimension_semantics = [#tpu.dimension_semantics<core_parallel>, #tpu.dimension_semantics<subcore_parallel>], iteration_bounds = array<i64: 2, 16>, scalar_prefetch = 0 : i64, scratch_operands = 3 : i64, tpu.core_type = #tpu.core_type<sc_vector_subcore>, window_params = [{transform_indices = #map}, {transform_indices = #map}, {transform_indices = #map}]} {
    %mul3A = arith.constant 16 : i32
    %mul3A_0 = arith.muli %arg0, %mul3A : i32
    %add3A = arith.addi %mul3A_0, %arg1 : i32
    %lt3A = arith.constant 24 : i32
    %lt3A_1 = arith.cmpi slt, %add3A, %lt3A : i32
    %convert_element_type3A = arith.extui %lt3A_1 : i1 to i32
    %cond3A = arith.constant 0 : i32
    %cond3A_2 = arith.cmpi ne, %convert_element_type3A, %cond3A : i32
    scf.if %cond3A_2 {
      %jit3A = arith.constant 12 : i32
      %eq3A = arith.constant 0 : i32
      %eq3A_3 = arith.cmpi eq, %jit3A, %eq3A : i32
      %jit3A_4 = arith.constant 1 : i32
      %select_n3A = arith.select %eq3A_3, %jit3A_4, %jit3A : i32
      %rem3A = arith.remsi %add3A, %select_n3A : i32
      %ne3A = arith.constant 0 : i32
      %ne3A_5 = arith.cmpi ne, %rem3A, %ne3A : i32
      %lt3A_6 = arith.constant 0 : i32
      %lt3A_7 = arith.cmpi slt, %rem3A, %lt3A_6 : i32
      %lt3A_8 = arith.constant 0 : i32
      %lt3A_9 = arith.cmpi slt, %select_n3A, %lt3A_8 : i32
      %ne3A_10 = arith.xori %lt3A_7, %lt3A_9 : i1
      %and3A = arith.andi %ne3A_10, %ne3A_5 : i1
      %add3A_11 = arith.addi %rem3A, %select_n3A : i32
      %select_n3A_12 = arith.select %and3A, %add3A_11, %rem3A : i32
      %mul3A_13 = arith.constant 512 : i32
      %mul3A_14 = arith.muli %select_n3A_12, %mul3A_13 : i32
      %mul3A_15 = arith.constant 32 : i32
      %mul3A_16 = arith.muli %mul3A_14, %mul3A_15 : i32
      "tpu.region"() ({
        %run_scoped3A = tpu.sem_alloc : memref<!tpu.dma_semaphore, #tpu.memory_space<semaphore_mem>>
        %dma_start3A = tpu.memref_slice %arg2[%mul3A_16] : memref<196608xf32, #tpu.memory_space<hbm>> -> memref<16384xf32, #tpu.memory_space<hbm>>
        %dma_start3A_27 = tpu.memref_slice %arg2[%mul3A_16] : memref<196608xf32, #tpu.memory_space<hbm>> -> memref<16384xf32, #tpu.memory_space<hbm>>
        tpu.enqueue_dma source(%dma_start3A_27 : memref<16384xf32, #tpu.memory_space<hbm>>) target(%arg5 : memref<16384xf32, #tpu.memory_space<vmem>>) target_semaphore(%run_scoped3A : memref<!tpu.dma_semaphore, #tpu.memory_space<semaphore_mem>>)
        %dma_wait3A = tpu.memref_slice %arg2[%mul3A_16] : memref<196608xf32, #tpu.memory_space<hbm>> -> memref<16384xf32, #tpu.memory_space<hbm>>
        %dma_wait3A_28 = tpu.memref_slice %arg2[%mul3A_16] : memref<196608xf32, #tpu.memory_space<hbm>> -> memref<16384xf32, #tpu.memory_space<hbm>>
        tpu.wait_dma2 semaphore(%run_scoped3A : memref<!tpu.dma_semaphore, #tpu.memory_space<semaphore_mem>>) src(%dma_wait3A_28 : memref<16384xf32, #tpu.memory_space<hbm>>) dst(%arg5 : memref<16384xf32, #tpu.memory_space<vmem>>)
        tpu.yield
      }) : () -> ()
      %mul3A_17 = arith.constant 6272 : i32
      %mul3A_18 = arith.muli %add3A, %mul3A_17 : i32
      "tpu.region"() ({
        %run_scoped3A = tpu.sem_alloc : memref<!tpu.dma_semaphore, #tpu.memory_space<semaphore_mem>>
        %dma_start3A = tpu.memref_slice %arg3[%mul3A_18] : memref<150528xi32, #tpu.memory_space<hbm>> -> memref<6272xi32, #tpu.memory_space<hbm>>
        %dma_start3A_27 = tpu.memref_slice %arg3[%mul3A_18] : memref<150528xi32, #tpu.memory_space<hbm>> -> memref<6272xi32, #tpu.memory_space<hbm>>
        tpu.enqueue_dma source(%dma_start3A_27 : memref<6272xi32, #tpu.memory_space<hbm>>) target(%arg6 : memref<6272xi32, #tpu.memory_space<vmem>>) target_semaphore(%run_scoped3A : memref<!tpu.dma_semaphore, #tpu.memory_space<semaphore_mem>>)
        %dma_wait3A = tpu.memref_slice %arg3[%mul3A_18] : memref<150528xi32, #tpu.memory_space<hbm>> -> memref<6272xi32, #tpu.memory_space<hbm>>
        %dma_wait3A_28 = tpu.memref_slice %arg3[%mul3A_18] : memref<150528xi32, #tpu.memory_space<hbm>> -> memref<6272xi32, #tpu.memory_space<hbm>>
        tpu.wait_dma2 semaphore(%run_scoped3A : memref<!tpu.dma_semaphore, #tpu.memory_space<semaphore_mem>>) src(%dma_wait3A_28 : memref<6272xi32, #tpu.memory_space<hbm>>) dst(%arg6 : memref<6272xi32, #tpu.memory_space<vmem>>)
        tpu.yield
      }) : () -> ()
      %scan3A = arith.constant 0 : i32
      %scan3A_19 = arith.constant 0 : i32
      %scan3A_20 = arith.constant 49 : i32
      %scan3A_21 = arith.addi %scan3A_19, %scan3A_20 : i32
      %scan3A_22 = arith.constant 1 : i32
      %scan3A_23 = scf.for %scan3A_27 = %scan3A_19 to %scan3A_21 step %scan3A_22 iter_args(%scan3A_28 = %scan3A) -> (i32)  : i32 {
        %mul3A_29 = arith.constant 128 : i32
        %mul3A_30 = arith.muli %scan3A_27, %mul3A_29 : i32
        %add3A_31 = arith.constant 0 : i32
        %add3A_32 = arith.addi %mul3A_30, %add3A_31 : i32
        %get3A = arith.index_cast %add3A_32 : i32 to index
        %get3A_33 = tpu.vector_load %arg6[%get3A] {strides = array<i32>} : memref<6272xi32, #tpu.memory_space<vmem>>, vector<16xi32>,
        %gather3A = tpu.vector_load_idx %arg5[%get3A_33] : memref<16384xf32, #tpu.memory_space<vmem>>[vector<16xi32>], vector<16xf32>,
        %swap3A = arith.index_cast %add3A_32 : i32 to index
        %swap3A_34 = tpu.vector_load %arg7[%swap3A] {strides = array<i32>} : memref<6272xf32, #tpu.memory_space<vmem>>, vector<16xf32>,
        tpu.vector_store %arg7[%swap3A], %gather3A {strides = array<i32>} : memref<6272xf32, #tpu.memory_space<vmem>>, vector<16xf32>,
        %add3A_35 = arith.constant 16 : i32
        %add3A_36 = arith.addi %mul3A_30, %add3A_35 : i32
        %get3A_37 = arith.index_cast %add3A_36 : i32 to index
        %get3A_38 = tpu.vector_load %arg6[%get3A_37] {strides = array<i32>} : memref<6272xi32, #tpu.memory_space<vmem>>, vector<16xi32>,
        %gather3A_39 = tpu.vector_load_idx %arg5[%get3A_38] : memref<16384xf32, #tpu.memory_space<vmem>>[vector<16xi32>], vector<16xf32>,
        %swap3A_40 = arith.index_cast %add3A_36 : i32 to index
        %swap3A_41 = tpu.vector_load %arg7[%swap3A_40] {strides = array<i32>} : memref<6272xf32, #tpu.memory_space<vmem>>, vector<16xf32>,
        tpu.vector_store %arg7[%swap3A_40], %gather3A_39 {strides = array<i32>} : memref<6272xf32, #tpu.memory_space<vmem>>, vector<16xf32>,
        %add3A_42 = arith.constant 32 : i32
        %add3A_43 = arith.addi %mul3A_30, %add3A_42 : i32
        %get3A_44 = arith.index_cast %add3A_43 : i32 to index
        %get3A_45 = tpu.vector_load %arg6[%get3A_44] {strides = array<i32>} : memref<6272xi32, #tpu.memory_space<vmem>>, vector<16xi32>,
        %gather3A_46 = tpu.vector_load_idx %arg5[%get3A_45] : memref<16384xf32, #tpu.memory_space<vmem>>[vector<16xi32>], vector<16xf32>,
        %swap3A_47 = arith.index_cast %add3A_43 : i32 to index
        %swap3A_48 = tpu.vector_load %arg7[%swap3A_47] {strides = array<i32>} : memref<6272xf32, #tpu.memory_space<vmem>>, vector<16xf32>,
        tpu.vector_store %arg7[%swap3A_47], %gather3A_46 {strides = array<i32>} : memref<6272xf32, #tpu.memory_space<vmem>>, vector<16xf32>,
        %add3A_49 = arith.constant 48 : i32
        %add3A_50 = arith.addi %mul3A_30, %add3A_49 : i32
        %get3A_51 = arith.index_cast %add3A_50 : i32 to index
        %get3A_52 = tpu.vector_load %arg6[%get3A_51] {strides = array<i32>} : memref<6272xi32, #tpu.memory_space<vmem>>, vector<16xi32>,
        %gather3A_53 = tpu.vector_load_idx %arg5[%get3A_52] : memref<16384xf32, #tpu.memory_space<vmem>>[vector<16xi32>], vector<16xf32>,
        %swap3A_54 = arith.index_cast %add3A_50 : i32 to index
        %swap3A_55 = tpu.vector_load %arg7[%swap3A_54] {strides = array<i32>} : memref<6272xf32, #tpu.memory_space<vmem>>, vector<16xf32>,
        tpu.vector_store %arg7[%swap3A_54], %gather3A_53 {strides = array<i32>} : memref<6272xf32, #tpu.memory_space<vmem>>, vector<16xf32>,
        %add3A_56 = arith.constant 64 : i32
        %add3A_57 = arith.addi %mul3A_30, %add3A_56 : i32
        %get3A_58 = arith.index_cast %add3A_57 : i32 to index
        %get3A_59 = tpu.vector_load %arg6[%get3A_58] {strides = array<i32>} : memref<6272xi32, #tpu.memory_space<vmem>>, vector<16xi32>,
        %gather3A_60 = tpu.vector_load_idx %arg5[%get3A_59] : memref<16384xf32, #tpu.memory_space<vmem>>[vector<16xi32>], vector<16xf32>,
        %swap3A_61 = arith.index_cast %add3A_57 : i32 to index
        %swap3A_62 = tpu.vector_load %arg7[%swap3A_61] {strides = array<i32>} : memref<6272xf32, #tpu.memory_space<vmem>>, vector<16xf32>,
        tpu.vector_store %arg7[%swap3A_61], %gather3A_60 {strides = array<i32>} : memref<6272xf32, #tpu.memory_space<vmem>>, vector<16xf32>,
        %add3A_63 = arith.constant 80 : i32
        %add3A_64 = arith.addi %mul3A_30, %add3A_63 : i32
        %get3A_65 = arith.index_cast %add3A_64 : i32 to index
        %get3A_66 = tpu.vector_load %arg6[%get3A_65] {strides = array<i32>} : memref<6272xi32, #tpu.memory_space<vmem>>, vector<16xi32>,
        %gather3A_67 = tpu.vector_load_idx %arg5[%get3A_66] : memref<16384xf32, #tpu.memory_space<vmem>>[vector<16xi32>], vector<16xf32>,
        %swap3A_68 = arith.index_cast %add3A_64 : i32 to index
        %swap3A_69 = tpu.vector_load %arg7[%swap3A_68] {strides = array<i32>} : memref<6272xf32, #tpu.memory_space<vmem>>, vector<16xf32>,
        tpu.vector_store %arg7[%swap3A_68], %gather3A_67 {strides = array<i32>} : memref<6272xf32, #tpu.memory_space<vmem>>, vector<16xf32>,
        %add3A_70 = arith.constant 96 : i32
        %add3A_71 = arith.addi %mul3A_30, %add3A_70 : i32
        %get3A_72 = arith.index_cast %add3A_71 : i32 to index
        %get3A_73 = tpu.vector_load %arg6[%get3A_72] {strides = array<i32>} : memref<6272xi32, #tpu.memory_space<vmem>>, vector<16xi32>,
        %gather3A_74 = tpu.vector_load_idx %arg5[%get3A_73] : memref<16384xf32, #tpu.memory_space<vmem>>[vector<16xi32>], vector<16xf32>,
        %swap3A_75 = arith.index_cast %add3A_71 : i32 to index
        %swap3A_76 = tpu.vector_load %arg7[%swap3A_75] {strides = array<i32>} : memref<6272xf32, #tpu.memory_space<vmem>>, vector<16xf32>,
        tpu.vector_store %arg7[%swap3A_75], %gather3A_74 {strides = array<i32>} : memref<6272xf32, #tpu.memory_space<vmem>>, vector<16xf32>,
        %add3A_77 = arith.constant 112 : i32
        %add3A_78 = arith.addi %mul3A_30, %add3A_77 : i32
        %get3A_79 = arith.index_cast %add3A_78 : i32 to index
        %get3A_80 = tpu.vector_load %arg6[%get3A_79] {strides = array<i32>} : memref<6272xi32, #tpu.memory_space<vmem>>, vector<16xi32>,
        %gather3A_81 = tpu.vector_load_idx %arg5[%get3A_80] : memref<16384xf32, #tpu.memory_space<vmem>>[vector<16xi32>], vector<16xf32>,
        %swap3A_82 = arith.index_cast %add3A_78 : i32 to index
        %swap3A_83 = tpu.vector_load %arg7[%swap3A_82] {strides = array<i32>} : memref<6272xf32, #tpu.memory_space<vmem>>, vector<16xf32>,
        tpu.vector_store %arg7[%swap3A_82], %gather3A_81 {strides = array<i32>} : memref<6272xf32, #tpu.memory_space<vmem>>, vector<16xf32>,
        %scan3A_84 = arith.constant 0 : i32
        scf.yield %scan3A_84 : i32
      }
      %scan3A_24 = arith.constant 49 : i32
      %mul3A_25 = arith.constant 6272 : i32
      %mul3A_26 = arith.muli %add3A, %mul3A_25 : i32
      "tpu.region"() ({
        %run_scoped3A = tpu.sem_alloc : memref<!tpu.dma_semaphore, #tpu.memory_space<semaphore_mem>>
        %dma_start3A = tpu.memref_slice %arg4[%mul3A_26] : memref<150528xf32, #tpu.memory_space<hbm>> -> memref<6272xf32, #tpu.memory_space<hbm>>
        %dma_start3A_27 = tpu.memref_slice %arg4[%mul3A_26] : memref<150528xf32, #tpu.memory_space<hbm>> -> memref<6272xf32, #tpu.memory_space<hbm>>
        tpu.enqueue_dma source(%arg7 : memref<6272xf32, #tpu.memory_space<vmem>>) target(%dma_start3A_27 : memref<6272xf32, #tpu.memory_space<hbm>>) target_semaphore(%run_scoped3A : memref<!tpu.dma_semaphore, #tpu.memory_space<semaphore_mem>>)
        %dma_wait3A = tpu.memref_slice %arg4[%mul3A_26] : memref<150528xf32, #tpu.memory_space<hbm>> -> memref<6272xf32, #tpu.memory_space<hbm>>
        %dma_wait3A_28 = tpu.memref_slice %arg4[%mul3A_26] : memref<150528xf32, #tpu.memory_space<hbm>> -> memref<6272xf32, #tpu.memory_space<hbm>>
        tpu.wait_dma2 semaphore(%run_scoped3A : memref<!tpu.dma_semaphore, #tpu.memory_space<semaphore_mem>>) src(%arg7 : memref<6272xf32, #tpu.memory_space<vmem>>) dst(%dma_wait3A_28 : memref<6272xf32, #tpu.memory_space<hbm>>)
        tpu.yield
      }) : () -> ()
    } else {
    }
    return
  }
}

module attributes {stable_mosaic.version = 14 : i64} {
  func.func @_tc_body(%arg0: i32, %arg1: i32, %arg2: memref<1x1x32x196xf32, #tpu.memory_space<vmem>>, %arg3: memref<1x512x32xf32, #tpu.memory_space<vmem>>, %arg4: memref<1x1x1x196xi32, #tpu.memory_space<vmem>>, %arg5: memref<1x1x32x196xi32, #tpu.memory_space<vmem>>) attributes {dimension_semantics = [#tpu.dimension_semantics<arbitrary>, #tpu.dimension_semantics<arbitrary>], iteration_bounds = array<i64: 2, 12>, scalar_prefetch = 0 : i64, scratch_operands = 0 : i64, tpu.core_type = #tpu.core_type<tc>, window_params = [{transform_indices = @transform_0, window_bounds = array<i64: 1, 1, 32, 196>}, {transform_indices = @transform_1, window_bounds = array<i64: 1, 512, 32>}, {transform_indices = @transform_2, window_bounds = array<i64: 1, 1, 1, 196>}, {transform_indices = @transform_3, window_bounds = array<i64: 1, 1, 32, 196>}]} {
    %get3A = arith.constant 0 : index
    %get3A_0 = arith.constant 0 : index
    %get3A_1 = arith.constant 0 : index
    %get3A_2 = vector.load %arg3[%get3A, %get3A_0, %get3A_1] : memref<1x512x32xf32, #tpu.memory_space<vmem>>, vector<1x512x32xf32>
    %get3A_3 = vector.shape_cast %get3A_2 : vector<1x512x32xf32> to vector<512x32xf32>
    %get3A_4 = arith.constant 0 : index
    %get3A_5 = arith.constant 0 : index
    %get3A_6 = arith.constant 0 : index
    %get3A_7 = arith.constant 0 : index
    %get3A_8 = vector.load %arg2[%get3A_4, %get3A_5, %get3A_6, %get3A_7] : memref<1x1x32x196xf32, #tpu.memory_space<vmem>>, vector<1x1x32x196xf32>
    %get3A_9 = vector.shape_cast %get3A_8 : vector<1x1x32x196xf32> to vector<32x196xf32>
    %dot_general3A = arith.constant dense<0.000000e+00> : vector<512x196xf32>
    %dot_general3A_10 = tpu.matmul %get3A_3, %get3A_9, %dot_general3A {dimension_numbers = #tpu.dot_dimension_numbers<[1], [0], [0], [1], [0, 0, 1, 1], [], []>, precision = #tpu.contract_precision<fp32>, transpose_lhs_hint = false} : vector<512x32xf32>, vector<32x196xf32>, vector<512x196xf32> -> vector<512x196xf32>
    %mul3A = arith.mulf %get3A_3, %get3A_3 : vector<512x32xf32>
    %reduce_sum3A = arith.constant dense<0.000000e+00> : vector<512xf32>
    %reduce_sum3A_11 = vector.multi_reduction <add>, %mul3A, %reduce_sum3A [1] : vector<512x32xf32> to vector<512xf32>
    %broadcast_in_dim3A = vector.shape_cast %reduce_sum3A_11 : vector<512xf32> to vector<512x1xf32>
    %mul3A_12 = arith.constant 2.000000e+00 : f32
    %mul3A_13 = vector.broadcast %mul3A_12 : f32 to vector<512x196xf32>
    %mul3A_14 = arith.mulf %mul3A_13, %dot_general3A_10 : vector<512x196xf32>
    %sub3A = vector.broadcast %broadcast_in_dim3A : vector<512x1xf32> to vector<512x196xf32>
    %sub3A_15 = arith.subf %sub3A, %mul3A_14 : vector<512x196xf32>
    %reduce_min3A = arith.constant dense<0x7F800000> : vector<196xf32>
    %reduce_min3A_16 = vector.multi_reduction <minimumf>, %sub3A_15, %reduce_min3A [0] : vector<512x196xf32> to vector<196xf32>
    %broadcast_in_dim3A_17 = vector.shape_cast %reduce_min3A_16 : vector<196xf32> to vector<1x196xf32>
    %iota3A = tpu.iota {dimensions = array<i32: 0>} : vector<512x196xi32>
    %eq3A = vector.broadcast %broadcast_in_dim3A_17 : vector<1x196xf32> to vector<512x196xf32>
    %eq3A_18 = arith.cmpf oeq, %sub3A_15, %eq3A : vector<512x196xf32>
    %jit3A = arith.constant 512 : i32
    %broadcast_in_dim3A_19 = vector.broadcast %jit3A : i32 to vector<512x196xi32>
    %select_n3A = arith.select %eq3A_18, %iota3A, %broadcast_in_dim3A_19 : vector<512x196xi1>, vector<512x196xi32>
    %reduce_min3A_20 = arith.constant dense<2147483647> : vector<196xi32>
    %reduce_min3A_21 = vector.multi_reduction <minsi>, %select_n3A, %reduce_min3A_20 [0] : vector<512x196xi32> to vector<196xi32>
    %swap3A = arith.constant 0 : index
    %swap3A_22 = arith.constant 0 : index
    %swap3A_23 = arith.constant 0 : index
    %swap3A_24 = arith.constant 0 : index
    %swap3A_25 = vector.load %arg4[%swap3A, %swap3A_22, %swap3A_23, %swap3A_24] : memref<1x1x1x196xi32, #tpu.memory_space<vmem>>, vector<1x1x1x196xi32>
    %swap3A_26 = vector.shape_cast %swap3A_25 : vector<1x1x1x196xi32> to vector<196xi32>
    %swap3A_27 = vector.shape_cast %reduce_min3A_21 : vector<196xi32> to vector<1x1x1x196xi32>
    tpu.vector_store %arg4[%swap3A, %swap3A_22, %swap3A_23, %swap3A_24], %swap3A_27 {strides = array<i32>} : memref<1x1x1x196xi32, #tpu.memory_space<vmem>>, vector<1x1x1x196xi32>,
    %iota3A_28 = tpu.iota {dimensions = array<i32: 0>} : vector<32x196xi32>
    %broadcast_in_dim3A_29 = vector.shape_cast %reduce_min3A_21 : vector<196xi32> to vector<1x196xi32>
    %mul3A_30 = arith.constant 32 : i32
    %mul3A_31 = vector.broadcast %mul3A_30 : i32 to vector<1x196xi32>
    %mul3A_32 = arith.muli %broadcast_in_dim3A_29, %mul3A_31 : vector<1x196xi32>
    %add3A = vector.broadcast %mul3A_32 : vector<1x196xi32> to vector<32x196xi32>
    %add3A_33 = arith.addi %add3A, %iota3A_28 : vector<32x196xi32>
    %swap3A_34 = arith.constant 0 : index
    %swap3A_35 = arith.constant 0 : index
    %swap3A_36 = arith.constant 0 : index
    %swap3A_37 = arith.constant 0 : index
    %swap3A_38 = vector.load %arg5[%swap3A_34, %swap3A_35, %swap3A_36, %swap3A_37] : memref<1x1x32x196xi32, #tpu.memory_space<vmem>>, vector<1x1x32x196xi32>
    %swap3A_39 = vector.shape_cast %swap3A_38 : vector<1x1x32x196xi32> to vector<32x196xi32>
    %swap3A_40 = vector.shape_cast %add3A_33 : vector<32x196xi32> to vector<1x1x32x196xi32>
    tpu.vector_store %arg5[%swap3A_34, %swap3A_35, %swap3A_36, %swap3A_37], %swap3A_40 {strides = array<i32>} : memref<1x1x32x196xi32, #tpu.memory_space<vmem>>, vector<1x1x32x196xi32>,
    return
  }
  func.func @transform_0(%arg0: i32, %arg1: i32) -> (i32, i32, i32, i32) {
    %c0_i32 = arith.constant 0 : i32
    %c0_i32_0 = arith.constant 0 : i32
    %c0_i32_1 = arith.constant 0 : i32
    return %arg0, %arg1, %c0_i32, %c0_i32_0 : i32, i32, i32, i32
  }
  func.func @transform_1(%arg0: i32, %arg1: i32) -> (i32, i32, i32) {
    %c0_i32 = arith.constant 0 : i32
    %c0_i32_0 = arith.constant 0 : i32
    %c0_i32_1 = arith.constant 0 : i32
    return %arg1, %c0_i32, %c0_i32_0 : i32, i32, i32
  }
  func.func @transform_2(%arg0: i32, %arg1: i32) -> (i32, i32, i32, i32) {
    %c0_i32 = arith.constant 0 : i32
    %c0_i32_0 = arith.constant 0 : i32
    %c0_i32_1 = arith.constant 0 : i32
    return %arg0, %arg1, %c0_i32, %c0_i32_0 : i32, i32, i32, i32
  }
  func.func @transform_3(%arg0: i32, %arg1: i32) -> (i32, i32, i32, i32) {
    %c0_i32 = arith.constant 0 : i32
    %c0_i32_0 = arith.constant 0 : i32
    %c0_i32_1 = arith.constant 0 : i32
    return %arg0, %arg1, %c0_i32, %c0_i32_0 : i32, i32, i32, i32
  }
}

</mosaic_0001>

<sc_bundles>
// kernel: kernel.4.cloned.1.call-start
scs
__scs_entry_jumppad:
0x0: {  	(pc) =	sbr.rel $0x88, $3  }
0x1: {  	(tag) =	ssettag $0x0;
	lr =	simm.s32 $0x1  }
0x2: {  	[smem:$0x3F9F] =	sst lr;
	_ =	strace $0xD0000000  }
0x3: {  	_ = 	snop  }
0x4: {  	_ = 	snop  }
0x5: {  	_ = 	snop  }
0x6: {  	_ = 	snop  }
0x7: {  	_ = 	snop  }
__scs_overlays_trampoline_lowered:
0x8: {  	[smem:$0x3FAE] =	sst s0  }
0x9: {  	[smem:$0x3FAF] =	sst s1  }
0xa: {  	[smem:$0x3FB0] =	sst s2  }
0xb: {  	[smem:$0x3FB1] =	sst s3  }
0xc: {  	[smem:$0x3FB2] =	sst s4  }
0xd: {  	[smem:$0x3FB3] =	sst s5  }
0xe: {  	[smem:$0x3FB4] =	sst s6  }
0xf: {  	[smem:$0x3FB5] =	sst s7  }
0x10: {  	[smem:$0x3FB6] =	sst s8  }
0x11: {  	[smem:$0x3FB7] =	sst s9;
	s0 =	simm.s32 @!p0 $0x0  }
0x12: {  	s1 =	sld [smem:$0x3F9D];
	s0 =	simm.s32 @p0 $0x1  }
0x13: {  	[smem:$0x3FB8] =	sst s0;
	s0 =	simm.s32 @!p1 $0x0  }
0x14: {  	s2 =	sld [smem:$0x3F9C];
	s0 =	simm.s32 @p1 $0x1  }
0x15: {  	[smem:$0x3FB9] =	sst s0;
	s0 =	simm.s32 @!p2 $0x0  }
0x16: {  	s3 =	sld [smem:$0x3FDB];
	s0 =	simm.s32 @p2 $0x1  }
0x17: {  	s4 =	simm.s32 $0x1BF5;
	[smem:$0x3FBB] =	sst s0  }
0x18: {  	s0 =	sld [smem:$0x3F9E];
	_ =	swait.ge [sflag:s4], $0x0  }
0x19: {  	s7 =	sld [smem:$0x3F9F]  }
0x1a: {  	s8 =	sadd.s32 $0xFFFFE003, lr  }
0x1b: {  	s9 =	sadd.s32 $0xFFFFFEF7, lr;
	s5 =	simm.s32 $0xFFFFFFFF;
	p2 =	slt.u32 s8, $0xFFFFF086  }
0x1c: {  	p1 =	slt.u32 s9, $0xF7A;
	s5 =	simm.s32 @!p2 $0x0  }
0x1d: {  	s5 =	simm.s32 @p1 $0x1;
	p0 =	seq.s32 s7, s2  }
0x1e: {  	s7 =	smul.u32 @!p0 $0xF7A, s2;
	p2 =	seq.s32 @!p0 s5, $0x0  }
0x1f: {  	s9 =	smul.u32 $0xF7A, s1;
	s8 =	simm.s32 @!p0 $0x1BF5;
	p2 =	por !p2, p0  }
0x20: {  	[sflag:s8] =	ssyncset.s32 @!p0 $0xFFFFF086;
	s6 =	sadd.s32 @!p0 s3, s7;
	s7 =	simm.s32 @!p0 $0x108  }
0x21: {  	s3 =	sadd.s32 s3, s9;
	s6 =	sadd.s32 @!p0 $0x88, s6;
	s7 =	simm.s32 @p2 $0x1082  }
0x22: {  	[simem:s7], [sflag:s8] =	dma.local @!p0 [hbm:s6], $0xF7A  }
0x23: {  	s9 =	sor.u32 $0xD0000000, s2;
	s6 =	simm.s32 $0x108;
	_ =	swait.ge @!p0 [sflag:s8], $0x0  }
0x24: {  	s3 =	sadd.s32 $0x88, s3;
	s6 =	simm.s32 @!p1 $0x1082;
	[sflag:s4] =	ssyncset.s32 $0xFFFFF086  }
0x25: {  	[simem:s6], [sflag:s4] =	dma.local [hbm:s3], $0xF7A  }
0x26: {  	[smem:$0x3F9F] =	sst s1;
	(tag) =	ssettag s2;
	_ =	strace s9  }
0x27: {  	s1 =	sld [smem:$0x3FAF]  }
0x28: {  	s2 =	sld [smem:$0x3FB0]  }
0x29: {  	s4 =	sld [smem:$0x3FB2]  }
0x2a: {  	p0 =	seq.s32 s5, $0x0;
	s5 =	sld [smem:$0x3FB3]  }
0x2b: {  	s6 =	sld [smem:$0x3FB4]  }
0x2c: {  	s7 =	sld [smem:$0x3FB5]  }
0x2d: {  	s3 =	simm.s32 $0x108;
	s8 =	sld [smem:$0x3FB6]  }
0x2e: {  	s3 =	simm.s32 @!p0 $0x1082;
	s9 =	sld [smem:$0x3FB7]  }
0x2f: {  	lr =	sadd.s32 s0, s3;
	s0 =	sld [smem:$0x3FAE]  }
0x30: {  	s3 =	sld [smem:$0x3FB1]  }
0x31: {  	[smem:$0x3FBA] =	sst s10  }
0x32: {  	s10 =	sld [smem:$0x3FB8];
	_ =	sdelay $0x3  }
0x33: {  	p0 =	seq.s32 s10, $0x1;
	s10 =	sld [smem:$0x3FBA];
	_ =	sdelay $0x3  }
0x34: {  	[smem:$0x3FBA] =	sst s10  }
0x35: {  	s10 =	sld [smem:$0x3FB9];
	_ =	sdelay $0x3  }
0x36: {  	p1 =	seq.s32 s10, $0x1;
	s10 =	sld [smem:$0x3FBA];
	_ =	sdelay $0x3  }
0x37: {  	[smem:$0x3FBA] =	sst s10  }
0x38: {  	s10 =	sld [smem:$0x3FBB]  }
0x39: {  	_ = 	snop;
	(pc) =	sbr.ind lr, $3  }
0x3a: {  	_ = 	snop  }
0x3b: {  	_ = 	snop  }
0x3c: {  	p2 =	seq.s32 s10, $0x1;
	s10 =	sld [smem:$0x3FBA]  }
0x3d: {  	_ =	shalt  }
0x3e: {  	_ =	shalt  }
0x3f: {  	_ =	shalt  }
0x40: {  	_ =	shalt  }
0x41: {  	_ =	shalt  }
0x42: {  	_ =	shalt  }
0x43: {  	_ =	shalt  }
0x44: {  	_ =	shalt  }
0x45: {  	_ =	shalt  }
0x46: {  	_ =	shalt  }
0x47: {  	_ =	shalt  }
0x48: {  	_ =	shalt  }
0x49: {  	_ =	shalt  }
0x4a: {  	_ =	shalt  }
0x4b: {  	_ =	shalt  }
0x4c: {  	_ =	shalt  }
0x4d: {  	_ =	shalt  }
0x4e: {  	_ =	shalt  }
0x4f: {  	_ =	shalt  }
0x50: {  	_ =	shalt  }
0x51: {  	_ =	shalt  }
0x52: {  	_ =	shalt  }
0x53: {  	_ =	shalt  }
0x54: {  	_ =	shalt  }
0x55: {  	_ =	shalt  }
0x56: {  	_ =	shalt  }
0x57: {  	_ =	shalt  }
0x58: {  	_ =	shalt  }
0x59: {  	_ =	shalt  }
0x5a: {  	_ =	shalt  }
0x5b: {  	_ =	shalt  }
0x5c: {  	_ =	shalt  }
0x5d: {  	_ =	shalt  }
0x5e: {  	_ =	shalt  }
0x5f: {  	_ =	shalt  }
0x60: {  	_ =	shalt  }
0x61: {  	_ =	shalt  }
0x62: {  	_ =	shalt  }
0x63: {  	_ =	shalt  }
0x64: {  	_ =	shalt  }
0x65: {  	_ =	shalt  }
0x66: {  	_ =	shalt  }
0x67: {  	_ =	shalt  }
0x68: {  	_ =	shalt  }
0x69: {  	_ =	shalt  }
0x6a: {  	_ =	shalt  }
0x6b: {  	_ =	shalt  }
0x6c: {  	_ =	shalt  }
0x6d: {  	_ =	shalt  }
0x6e: {  	_ =	shalt  }
0x6f: {  	_ =	shalt  }
0x70: {  	_ =	shalt  }
0x71: {  	_ =	shalt  }
0x72: {  	_ =	shalt  }
0x73: {  	_ =	shalt  }
0x74: {  	_ =	shalt  }
0x75: {  	_ =	shalt  }
0x76: {  	_ =	shalt  }
0x77: {  	_ =	shalt  }
0x78: {  	_ =	shalt  }
0x79: {  	_ =	shalt  }
0x7a: {  	_ =	shalt  }
0x7b: {  	_ =	shalt  }
0x7c: {  	_ =	shalt  }
0x7d: {  	_ =	shalt  }
0x7e: {  	_ =	shalt  }
0x7f: {  	_ =	shalt  }
0x80: {  	_ =	shalt  }
0x81: {  	_ =	shalt  }
0x82: {  	_ =	shalt  }
0x83: {  	_ =	shalt  }
0x84: {  	_ =	shalt  }
0x85: {  	_ =	shalt  }
0x86: {  	_ =	shalt  }
0x87: {  	_ =	shalt  }
.Lfunc_end0:
.L_simem_size_0:
called_computation_lowered:
.L_overlay_start_0:
0x88: {  	s2 =	sld [smem:$0x3FD9]  }
0x89: {  	s3 =	sld [smem:$0x3FFE];
	_ =	sdelay $0x1  }
0x8a: {  	s1 =	srdreg.scid  }
0x8b: {  	s0 =	sand.u32 $0x1, s1  }
0x8c: {  	s14 =	sshll.u32 s0, $0xA;
	s2 =	sadd.s32 s3, s2  }
0x8d: {  	s2 =	sadd.s32 s2, s14  }
0x8e: {  	[smem:$0x3FC6] =	sst s2  }
0x8f: {  	_ = 	snop  }
0x90: {  	s2 =	sld [smem:$0x3FD0];
	_ =	sdelay $0x2  }
0x91: {  	s15 =	simm.s32 $0xA;
	s4 =	simm.s32 $0x10  }
0x92: {  	[smem:s4], [sflag:s15] =	dma.local [hbm:s2], $0x1  }
0x93: {  	_ =	swait.eq [sflag:s15], $0x1  }
0x94: {  	[sflag:s15] =	ssyncset.done $0x0  }
0x95: {  	[sflag:s15] =	ssyncadd.s32 $0xFFFFFFFF  }
0x96: {  	s16 =	sld [smem:$0x10];
	(tm) =	ssettm $0x1  }
0x97: {  	s17 =	sld [smem:$0x3FFB];
	_ =	sdelay $0x3  }
0x98: {  	_ =	strace s17  }
0x99: {  	s3 =	sld [smem:$0x3FFC];
	_ =	sdelay $0x3  }
0x9a: {  	_ =	strace s3  }
0x9b: {  	s3 =	sld [smem:$0x3FFD];
	_ =	sdelay $0x3  }
0x9c: {  	_ =	strace s3  }
0x9d: {  	_ =	strace $0x8FFFFFFF  }
0x9e: {  	s18 =	sld [smem:$0x3FDB];
	_ =	sdelay $0x1  }
0x9f: {  	s19 =	simm.s32 $_scs_section_size  }
0xa0: {  	s5 =	simm.s32 $_size__tile_overlayer_lowered;
	s6 =	simm.s32 $_tile_overlayer_lowered  }
0xa1: {  	s22 =	simm.s32 $0x1BFF;
	s21 =	sshll.u32 s6, $0x1;
	s3 =	sadd.s32 s19, s18  }
0xa2: {  	s7 =	simm.s32 $0x0;
	s20 =	sshll.u32 s5, $0x1;
	s5 =	sadd.s32 s21, s3  }
0xa3: {  	[timem:s7], [sflag:s22] =	dma.local [hbm:s5], s20  }
0xa4: {  	_ =	swait.ge [sflag:s22], s20  }
0xa5: {  	s4 =	ssub.s32 $0x0, s20;
	[sflag:s22] =	ssyncset.done $0x0  }
0xa6: {  	[sflag:s22] =	ssyncadd.s32 s4;
	_ =	sdelay $0x1  }
0xa7: {  	s23 =	simm.s32 $0x1B8B  }
0xa8: {  	_ =	swait.ge [sflag:s23], $0x1  }
0xa9: {  	[sflag:s23] =	ssyncset.done $0x0  }
0xaa: {  	s25 =	simm.s32 $0x1B8E;
	s24 =	sld [smem:$0x3FFE];
	[sflag:s23] =	ssyncadd.s32 $0xFFFFFFFF  }
0xab: {  	s26 =	simm.s32 $execute0_lowered;
	[smem:$0x3FD2] =	sst s25  }
0xac: {  	s5 =	sshll.u32 s26, $0x1;
	_ =	strace $0x80000046;
	[dreg:$0x1] =	wrdreg $0xFFFFFFFF  }
0xad: {  	s28 =	simm.s32 $_size_execute0_lowered;
	s3 =	sadd.s32 s3, s5;
	[dreg:$0x0] =	wrdreg $0x0  }
0xae: {  	s5 =	sshll.u32 s28, $0x1;
	[dreg:$0x2] =	wrdreg s3  }
0xaf: {  	[dreg:$0x3] =	wrdreg s5  }
0xb0: {  	[dreg:$0x4] =	wrdreg $0xC0  }
0xb1: {  	_ =	task [dreg:s7], $0x5FFFF  }
0xb2: {  	[dreg:$0x1] =	wrdreg $0xFFFFFFFF  }
0xb3: {  	[dreg:$0x0] =	wrdreg $0x60  }
0xb4: {  	[dreg:$0x2] =	wrdreg s24  }
0xb5: {  	[dreg:$0x3] =	wrdreg s16  }
0xb6: {  	[dreg:$0x4] =	wrdreg $0x9  }
0xb7: {  	_ =	task.clear_ibuf [dreg:s7], $0x5FFFF;
	_ =	strace $0x90000046  }
0xb8: {  	s29 =	simm.s32 $0x9;
	_ =	strace $0x80000048  }
0xb9: {  	_ =	swait.ge [sflag:s29], $0x1  }
0xba: {  	[sflag:s29] =	ssyncadd.s32 $0xFFFFFFFF  }
0xbb: {  	_ =	strace $0x90000048  }
0xbc: {  	_ =	sfence  }
0xbd: {  	s30 =	sld [smem:$0x0];
	_ =	sdelay $0x2  }
0xbe: {  	s31 =	sshll.u32 s1, $0xD;
	s1 =	sshrl.u32 s1, $0x2  }
0xbf: {  	s3 =	sand.u32 $0x4000, s31;
	s1 =	sadd.s32 s1, s30  }
0xc0: {  	s0 =	sor.u32 s3, s0;
	s1 =	sshll.u32 s1, $0x11  }
0xc1: {  	s0 =	sor.u32 s1, s0  }
0xc2: {  	s0 =	sadd.s32 $0x8F2B, s0  }
0xc3: {  	[sflag:s0] =	ssyncadd.remote.s32 $0x1  }
0xc4: {  	_ =	sfence.sel $0xFFFF  }
0xc5: {  	[dreg:$0x0] =	wrdreg $0xFFFFFFFF;
	(pc) =	sbr.abs _section_cstart, $3  }
0xc6: {  	[dreg:$0x1] =	wrdreg $0xFFFFFFFF  }
0xc7: {  	_ =	task.clear_ibuf [dreg:s7], $0x2FFFF;
	_ =	strace $0x9FFFFFFF  }
0xc8: {  	(tm) =	ssettm $0x7FFFFFFF  }
0xc9: {  	_ =	shalt  }
tec
execute0_lowered:
.L_overlay_start_1:
0x0: {  	(tag) =	ssettag $0x1  }
0x1: {  	s0 =	srdreg.scid  }
0x2: {  	s4 =	sand.u32 $0x1, s0  }
0x3: {  	s1 =	stileid.u32;
	s6 =	sshll.u32 s4, $0x4  }
0x4: {  	s6 =	sor.u32 s1, s6  }
0x5: {  	p0 =	sgt.u32 s6, $0x17  }
.Ltmp0:
0x6: {  	_ = 	snop;
	(pc) =	sbr.rel @p0 .LBB2_5-.Ltmp0, $4  }
0x7: {  	s3 =	rddreg [dreg:$0x0]  }
0x8: {  	s5 =	rddreg [dreg:$0x1];
	s2 =	simm.s32 $0x0  }
0x9: {  	[smem:$0x7FF] =	sst s2  }
0xa: {  	s0 =	rddreg [dreg:$0x2];
	_ =	strace $0x80000047  }
0xb: {  	s7 =	smul.u32 $0x310, s6  }
0xc: {  	s8 =	sadd.s32 $0x800, s3;
	s30 =	ssub.s32 $0x2, s4  }
0xd: {  	p0 =	slt.u32 s6, $0xC;
	s10 =	sshrl.u32 s30, $0x1;
	s9 =	sadd.s32 s7, s3  }
0xe: {  	s3 =	sadd.s32 s5, s7;
	s7 =	sshll.u32 s6, $0xB;
	s31 =	ssub.s32 s30, s10  }
0xf: {  	s10 =	simm.s32 $0x0;
	s6 =	sadd.s32 $0xFFFFA000, s7;
	s4 =	sadd.s32 $0x6800, s9  }
0x10: {  	s9 =	simm.s32 $0x5880;
	s6 =	smov.u32 @p0 s7;
	s7 =	simm.s32 $0x1  }
0x11: {  	s5 =	sadd.s32 s8, s6;
	s6 =	smax.u32 s31, $0x1;
	s8 =	simm.s32 $0x4000  }
.LBB2_2:
0x12: {  	s11 =	simm.s32 $0x0  }
0x13: {  	[tilespmem:s11], [sflag:$0x1] =	stream.linear.gather [hbm4b:s5+s11], $0x4000, $0x38;
	[tilespmem:$0x7100] =	vst v63  }
0x14: {  	_ =	swait.ge [sflag:s7], $0x4000  }
0x15: {  	[sflag:s7] =	ssyncset.done $0x0  }
0x16: {  	[sflag:s7] =	ssyncadd.s32 $0xFFFFC000  }
0x17: {  	[tilespmem:s8], [sflag:$0x1] =	stream.linear.gather [hbm4b:s3+s11], $0x1880, $0x38;
	[tilespmem:$0x7100] =	vst v63  }
0x18: {  	_ =	swait.ge [sflag:s7], $0x1880  }
0x19: {  	[sflag:s7] =	ssyncset.done $0x0  }
0x1a: {  	s11 =	simm.s32 $0x0;
	[sflag:s7] =	ssyncadd.s32 $0xFFFFE780  }
0x1b: {  	v0 =	vld [tilespmem:s11+$0x4000];
	_ =	sdelay $0x5  }
0x1c: {  	v1 =	vld [tilespmem:s11+$0x4010];
	_ =	sdelay $0x1  }
0x1d: {  	v0 =	vld.idx.msk [tilespmem:v0+s2+$0x0], $0xffff;
	_ =	sdelay $0x4  }
0x1e: {  	[tilespmem:s11+$0x5880] =	vst v0;
	v0 =	vld [tilespmem:s11+$0x4020]  }
0x1f: {  	v1 =	vld.idx.msk [tilespmem:v1+s2+$0x0], $0xffff;
	_ =	sdelay $0x4  }
0x20: {  	[tilespmem:s11+$0x5890] =	vst v1;
	v1 =	vld [tilespmem:s11+$0x4030];
	_ =	sdelay $0x1  }
0x21: {  	v0 =	vld.idx.msk [tilespmem:v0+s2+$0x0], $0xffff;
	_ =	sdelay $0x4  }
0x22: {  	[tilespmem:s11+$0x58A0] =	vst v0;
	v0 =	vld [tilespmem:s11+$0x4040]  }
0x23: {  	v1 =	vld.idx.msk [tilespmem:v1+s2+$0x0], $0xffff;
	_ =	sdelay $0x4  }
0x24: {  	[tilespmem:s11+$0x58B0] =	vst v1;
	v1 =	vld [tilespmem:s11+$0x4050];
	_ =	sdelay $0x1  }
0x25: {  	v0 =	vld.idx.msk [tilespmem:v0+s2+$0x0], $0xffff;
	_ =	sdelay $0x4  }
0x26: {  	v2 =	vld [tilespmem:s11+$0x4060];
	[tilespmem:s11+$0x58C0] =	vst v0  }
0x27: {  	v0 =	vld.idx.msk [tilespmem:v1+s2+$0x0], $0xffff;
	_ =	sdelay $0x4  }
0x28: {  	[tilespmem:s11+$0x58D0] =	vst v0;
	v0 =	vld [tilespmem:s11+$0x4070];
	_ =	sdelay $0x1  }
0x29: {  	v1 =	vld.idx.msk [tilespmem:v2+s2+$0x0], $0xffff;
	_ =	sdelay $0x3  }
0x2a: {  	s13 =	simm.s32 $0x80;
	s12 =	simm.s32 $0x400  }
.LBB2_3:
0x2b: {  	p0 =	sne.s32 s12, $0x6000;
	v2 =	vld [tilespmem:s13+$0x4000];
	[tilespmem:s11+$0x58E0] =	vst v1  }
0x2c: {  	v0 =	vld.idx.msk [tilespmem:v0+s2+$0x0], $0xffff;
	_ =	sdelay $0x5  }
0x2d: {  	v1 =	vld [tilespmem:s13+$0x4010];
	[tilespmem:s11+$0x58F0] =	vst v0;
	s11 =	smov.u32 s13  }
0x2e: {  	v0 =	vld.idx.msk [tilespmem:v2+s2+$0x0], $0xffff;
	_ =	sdelay $0x5  }
0x2f: {  	[tilespmem:s11+$0x5880] =	vst v0;
	v0 =	vld [tilespmem:s11+$0x4020]  }
0x30: {  	v1 =	vld.idx.msk [tilespmem:v1+s2+$0x0], $0xffff;
	_ =	sdelay $0x5  }
0x31: {  	[tilespmem:s11+$0x5890] =	vst v1;
	v1 =	vld [tilespmem:s11+$0x4030]  }
0x32: {  	v0 =	vld.idx.msk [tilespmem:v0+s2+$0x0], $0xffff;
	_ =	sdelay $0x5  }
0x33: {  	[tilespmem:s11+$0x58A0] =	vst v0;
	v0 =	vld [tilespmem:s11+$0x4040]  }
0x34: {  	v1 =	vld.idx.msk [tilespmem:v1+s2+$0x0], $0xffff;
	_ =	sdelay $0x5  }
0x35: {  	[tilespmem:s11+$0x58B0] =	vst v1;
	v1 =	vld [tilespmem:s11+$0x4050]  }
0x36: {  	v0 =	vld.idx.msk [tilespmem:v0+s2+$0x0], $0xffff;
	_ =	sdelay $0x5  }
0x37: {  	[tilespmem:s11+$0x58C0] =	vst v0;
	v2 =	vld [tilespmem:s11+$0x4060]  }
0x38: {  	v0 =	vld.idx.msk [tilespmem:v1+s2+$0x0], $0xffff;
	_ =	sdelay $0x5  }
0x39: {  	[tilespmem:s11+$0x58D0] =	vst v0;
	v0 =	vld [tilespmem:s11+$0x4070]  }
0x3a: {  	v1 =	vld.idx.msk [tilespmem:v2+s2+$0x0], $0xffff  }
.Ltmp1:
0x3b: {  	(pc) =	sbr.rel @p0 .LBB2_3-.Ltmp1, $2  }
0x3c: {  	_ =	sdelay $0x2  }
0x3d: {  	s13 =	sshra.s32 s12, $0x2;
	s12 =	sadd.s32 $0x200, s12  }
0x3e: {  	_ =	sdelay $0x1  }
0x3f: {  	v2 =	vld [tilespmem:s13+$0x4000]  }
0x40: {  	[tilespmem:s11+$0x58E0] =	vst v1  }
0x41: {  	v0 =	vld.idx.msk [tilespmem:v0+s2+$0x0], $0xffff;
	_ =	sdelay $0x3  }
0x42: {  	v1 =	vld [tilespmem:s13+$0x4010]  }
0x43: {  	[tilespmem:s11+$0x58F0] =	vst v0  }
0x44: {  	v0 =	vld.idx.msk [tilespmem:v2+s2+$0x0], $0xffff;
	_ =	sdelay $0x3  }
0x45: {  	v58 =	vld [tilespmem:s13+$0x4020]  }
0x46: {  	[tilespmem:s13+$0x5880] =	vst v0  }
0x47: {  	v1 =	vld.idx.msk [tilespmem:v1+s2+$0x0], $0xffff;
	_ =	sdelay $0x3  }
0x48: {  	v59 =	vld [tilespmem:s13+$0x4030]  }
0x49: {  	[tilespmem:s13+$0x5890] =	vst v1  }
0x4a: {  	v0 =	vld.idx.msk [tilespmem:v58+s2+$0x0], $0xffff;
	_ =	sdelay $0x3  }
0x4b: {  	v60 =	vld [tilespmem:s13+$0x4040]  }
0x4c: {  	[tilespmem:s13+$0x58A0] =	vst v0  }
0x4d: {  	v1 =	vld.idx.msk [tilespmem:v59+s2+$0x0], $0xffff;
	_ =	sdelay $0x3  }
0x4e: {  	v61 =	vld [tilespmem:s13+$0x4050]  }
0x4f: {  	[tilespmem:s13+$0x58B0] =	vst v1  }
0x50: {  	v0 =	vld.idx.msk [tilespmem:v60+s2+$0x0], $0xffff;
	_ =	sdelay $0x3  }
0x51: {  	v62 =	vld [tilespmem:s13+$0x4060]  }
0x52: {  	[tilespmem:s13+$0x58C0] =	vst v0  }
0x53: {  	v1 =	vld.idx.msk [tilespmem:v61+s2+$0x0], $0xffff;
	_ =	sdelay $0x3  }
0x54: {  	v63 =	vld [tilespmem:s13+$0x4070]  }
0x55: {  	[tilespmem:s13+$0x58D0] =	vst v1  }
0x56: {  	v0 =	vld.idx.msk [tilespmem:v62+s2+$0x0], $0xffff;
	_ =	sdelay $0x4  }
0x57: {  	[tilespmem:s13+$0x58E0] =	vst v0  }
0x58: {  	v0 =	vld.idx.msk [tilespmem:v63+s2+$0x0], $0xffff;
	_ =	sdelay $0x2  }
0x59: {  	s10 =	sadd.s32 $0x1, s10  }
0x5a: {  	p0 =	sne.s32 s10, s6  }
.Ltmp2:
0x5b: {  	[tilespmem:s13+$0x58F0] =	vst v0;
	(pc) =	sbr.rel @p0 .LBB2_2-.Ltmp2, $4  }
0x5c: {  	[hbm4b:s4+s2] =	stream.linear.scatter [tilespmem:s9], [sflag:$0x1], $0x1880, $0x38;
	[tilespmem:$0x7100] =	vst v63  }
0x5d: {  	_ =	swait.ge [sflag:s7], $0x1880  }
0x5e: {  	[sflag:s7] =	ssyncset.done $0x0  }
0x5f: {  	[sflag:s7] =	ssyncadd.s32 $0xFFFFE780  }
.LBB2_5:
0x60: {  	_ =	sfence.sel $0x180000  }
0x61: {  	[bflag:$0x0] =	sbarrier.arrive $0xFFFF  }
0x62: {  	p0 =	sne.s32 s1, $0x0;
	_ =	strace $0x90000047  }
0x63: {  	s0 =	sadd.s32 @!p0 $0x100000, s0;
	[bflag:$0x2] =	sbarrier.arrive $0xFFFF  }
0x64: {  	[sflag:s0] =	ssyncadd.tile.s32 @!p0 $0x1;
	_ =	shalt  }
.Lfunc_end2:
_tile_overlayer_lowered:
.L_overlay_start_2:
0x65: {  	(tag) =	ssettag $0x2  }
0x66: {  	s0 =	rddreg [dreg:$0x0];
	s2 =	stileid.u32  }
0x67: {  	s1 =	rddreg [dreg:$0x1];
	p0 =	sne.s32 s2, $0x0  }
0x68: {  	s3 =	rddreg [dreg:$0x2];
	[bflag:$0x3] =	sbarrier.arrive $0xFFFF;
	s2 =	simm.s32 @!p0 $0x1C01  }
0x69: {  	[timem:s3], [sflag:s2] =	dma.local @!p0 [hbm:s0], s1  }
0x6a: {  	s0 =	simm.s32 @!p0 $0x1  }
0x6b: {  	_ =	swait.ge @!p0 [sflag:s0], s1  }
0x6c: {  	s1 =	ssub.s32 @!p0 $0x0, s1;
	[sflag:s0] =	ssyncset.done @!p0 $0x0  }
0x6d: {  	[sflag:s0] =	ssyncadd.s32 @!p0 s1  }
0x6e: {  	[bflag:$0x3] =	sbarrier.arrive $0xFFFF  }
0x6f: {  	_ =	shalt  }

</sc_bundles>
